<compile_context>
chip_gen: v7x
topology: tpu7x:2x2x1
jax: 0.10.2.dev20260603
libtpu: 0.0.44.dev20260713+nightly
codegen_flags: <defaults>
</compile_context>

<pallas_src>
import jax
import jax.numpy as jnp
from jax import lax
from jax.experimental import pallas as pl
from jax.experimental.pallas import tpu as pltpu
from jax.experimental.pallas import tpu_sc as plsc

N = 10000
E = 320000
D = 128
H = 128

NC = 2
NS = 16
NW = NC * NS

NP = 10240
K = 128
CHT = 160
CH0W = 80
CH1W = CHT - CH0W
EPAD = NS * CHT * K
KD = 64
EWPD = EPAD // NW
CHD = EWPD // KD
DEGW = 128

ROWS_PER_TILE = NP // NS


def _sc_degree_body(dst_hbm, zeros_hbm, out_hbm, deg_acc, dst_v, ones_v):
    c = lax.axis_index("c")
    s = lax.axis_index("s")
    wid = s * NC + c

    def fill(r, _):
        for i in range(DEGW // 16):
            ones_v[r, pl.ds(i * 16, 16)] = jnp.full((16,), 1.0, jnp.float32)
        return ()

    lax.fori_loop(0, KD, fill, ())

    pltpu.sync_copy(
        zeros_hbm.at[pl.ds(s * ROWS_PER_TILE, ROWS_PER_TILE)],
        deg_acc.at[pl.ds(s * ROWS_PER_TILE, ROWS_PER_TILE)],
    )
    pltpu.sync_copy(dst_hbm.at[wid], dst_v)
    plsc.subcore_barrier()

    def chunk(j, _):
        pltpu.sync_copy(ones_v, deg_acc.at[dst_v.at[j]], add=True)
        return ()

    lax.fori_loop(0, CHD, chunk, ())
    plsc.subcore_barrier()

    pltpu.sync_copy(
        deg_acc.at[pl.ds(s * ROWS_PER_TILE, ROWS_PER_TILE)],
        out_hbm.at[c, pl.ds(s * ROWS_PER_TILE, ROWS_PER_TILE)],
    )


@jax.jit
def _sc_degree(dst_tiles, zeros_deg):
    mesh = plsc.VectorSubcoreMesh(core_axis_name="c", subcore_axis_name="s")
    return pl.kernel(
        _sc_degree_body,
        out_type=jax.ShapeDtypeStruct((NC, NP, DEGW), jnp.float32),
        mesh=mesh,
        scratch_types=[
            pltpu.VMEM_SHARED((NP, DEGW), jnp.float32),
            pltpu.VMEM((CHD, KD), jnp.int32),
            pltpu.VMEM((KD, DEGW), jnp.float32),
        ],
    )(dst_tiles, zeros_deg)


def _sc_agg_body(hs_hbm, src_hbm, dst_hbm, zeros_hbm, out_hbm,
                 acc, src_v, dst_v, rows_v, gsem):
    c = lax.axis_index("c")
    s = lax.axis_index("s")
    wid = s * NC + c

    pltpu.sync_copy(
        zeros_hbm.at[pl.ds(s * ROWS_PER_TILE, ROWS_PER_TILE)],
        acc.at[pl.ds(s * ROWS_PER_TILE, ROWS_PER_TILE)],
    )
    pltpu.sync_copy(src_hbm.at[wid], src_v)
    pltpu.sync_copy(dst_hbm.at[wid], dst_v)
    plsc.subcore_barrier()

    nch = jnp.where(c == 0, CH0W, CH1W)

    def chunk(j, _):
        pltpu.async_copy(hs_hbm.at[src_v.at[j]], rows_v, gsem).wait()
        pltpu.sync_copy(rows_v, acc.at[dst_v.at[j]], add=True)
        return ()

    lax.fori_loop(0, nch, chunk, ())
    plsc.subcore_barrier()

    pltpu.sync_copy(
        acc.at[pl.ds(s * ROWS_PER_TILE, ROWS_PER_TILE)],
        out_hbm.at[c, pl.ds(s * ROWS_PER_TILE, ROWS_PER_TILE)],
    )


@jax.jit
def _sc_aggregate(hs, src_tiles, dst_tiles, zeros_rows):
    mesh = plsc.VectorSubcoreMesh(core_axis_name="c", subcore_axis_name="s")
    return pl.kernel(
        _sc_agg_body,
        out_type=jax.ShapeDtypeStruct((NC, NP, H), jnp.float32),
        mesh=mesh,
        scratch_types=[
            pltpu.VMEM_SHARED((NP, H), jnp.float32),
            pltpu.VMEM((CH0W, K), jnp.int32),
            pltpu.VMEM((CH0W, K), jnp.int32),
            pltpu.VMEM((K, H), jnp.float32),
            pltpu.SemaphoreType.DMA,
        ],
    )(hs, src_tiles, dst_tiles, zeros_rows)


BLK = 512
GRID = NP // BLK


def _tc1_body(x_ref, wg_ref, bg_ref, w1_ref, dega_ref, degb_ref, out_ref):
    xb = x_ref[...]
    g = jax.nn.sigmoid(
        jnp.dot(xb, wg_ref[...], preferred_element_type=jnp.float32)
        + bg_ref[...]
    )
    h = jnp.dot(xb * g, w1_ref[...], preferred_element_type=jnp.float32)
    deg = dega_ref[...] + degb_ref[...] + 1.0
    out_ref[...] = h * lax.rsqrt(deg)


def _tc2_body(acc_ref, hs_ref, b1_ref, w2_ref, dega_ref, degb_ref, out_ref):
    deg = dega_ref[...] + degb_ref[...] + 1.0
    dinv = lax.rsqrt(deg)
    pre = (acc_ref[0] + acc_ref[1] + hs_ref[...]) * dinv + b1_ref[...]
    o1 = jnp.maximum(pre, 0.0)
    h2 = jnp.dot(o1, w2_ref[...], preferred_element_type=jnp.float32)
    out_ref[...] = h2 * dinv


def _tc3_body(acc_ref, hs_ref, b2_ref, dega_ref, degb_ref, out_ref):
    deg = dega_ref[...] + degb_ref[...] + 1.0
    dinv = lax.rsqrt(deg)
    out_ref[...] = (acc_ref[0] + acc_ref[1] + hs_ref[...]) * dinv + b2_ref[...]


_row_spec = pl.BlockSpec((BLK, D), lambda i: (i, 0))
_deg_spec = pl.BlockSpec((BLK, 1), lambda i: (i, 0))
_full_spec = pl.BlockSpec((D, H), lambda i: (0, 0))
_bias_spec = pl.BlockSpec((1, H), lambda i: (0, 0))
_acc_spec = pl.BlockSpec((NC, BLK, H), lambda i: (0, i, 0))


@jax.jit
def _tc_stage1(xp, Wg, bg, W1, dega, degb):
    return pl.pallas_call(
        _tc1_body,
        grid=(GRID,),
        in_specs=[_row_spec, _full_spec, _bias_spec, _full_spec,
                  _deg_spec, _deg_spec],
        out_specs=_row_spec,
        out_shape=jax.ShapeDtypeStruct((NP, H), jnp.float32),
    )(xp, Wg, bg.reshape(1, D), W1, dega, degb)


@jax.jit
def _tc_stage2(acc, hs1, b1, W2, dega, degb):
    return pl.pallas_call(
        _tc2_body,
        grid=(GRID,),
        in_specs=[_acc_spec, _row_spec, _bias_spec, _full_spec,
                  _deg_spec, _deg_spec],
        out_specs=_row_spec,
        out_shape=jax.ShapeDtypeStruct((NP, H), jnp.float32),
    )(acc, hs1, b1.reshape(1, H), W2, dega, degb)


@jax.jit
def _tc_stage3(acc, hs2, b2, dega, degb):
    return pl.pallas_call(
        _tc3_body,
        grid=(GRID,),
        in_specs=[_acc_spec, _row_spec, _bias_spec, _deg_spec, _deg_spec],
        out_specs=_row_spec,
        out_shape=jax.ShapeDtypeStruct((NP, H), jnp.float32),
    )(acc, hs2, b2.reshape(1, H), dega, degb)


@jax.jit
def kernel(x, edge_index, Wg, bg, W1, b1, W2, b2):
    src = edge_index[0].astype(jnp.int32)
    dst = edge_index[1].astype(jnp.int32)

    pad = EPAD - E
    pad_dst = N + (jnp.arange(pad, dtype=jnp.int32) % (NP - N))
    srcp = jnp.concatenate([src, jnp.zeros((pad,), jnp.int32)])
    dstp = jnp.concatenate([dst, pad_dst])

    def worker_layout(flat):
        chunks = flat.reshape(NS * CHT, K)
        a0 = chunks[: NS * CH0W].reshape(NS, CH0W, K)
        a1 = chunks[NS * CH0W:].reshape(NS, CH1W, K)
        fill = jnp.broadcast_to(chunks[-1], (NS, CH0W - CH1W, K))
        a1 = jnp.concatenate([a1, fill], axis=1)
        return jnp.stack([a0, a1], axis=1).reshape(NW, CH0W, K)

    src_tiles = worker_layout(srcp)
    dst_tiles = worker_layout(dstp)
    dst_deg = dstp.reshape(NW, CHD, KD)

    xp = jnp.zeros((NP, D), jnp.float32).at[:N].set(x)
    zeros_rows = jnp.zeros((NP, H), jnp.float32)

    degp = _sc_degree(dst_deg, zeros_rows)
    dega = degp[0, :, :1]
    degb = degp[1, :, :1]

    hs1 = _tc_stage1(xp, Wg, bg, W1, dega, degb)
    acc1 = _sc_aggregate(hs1, src_tiles, dst_tiles, zeros_rows)
    hs2 = _tc_stage2(acc1, hs1, b1, W2, dega, degb)
    acc2 = _sc_aggregate(hs2, src_tiles, dst_tiles, zeros_rows)
    out = _tc_stage3(acc2, hs2, b2, dega, degb)
    return out[:N]

# --- scband reference (transcript-rebuilt; emitter-appended) ---
"""Pipeline reference for scband-gcnencoder-with-gate-55027120996894 (READ-ONLY COPY).

The authoritative reference and input builder live on the scoring server;
editing this copy changes nothing except your own understanding.
"""

import jax, jax.numpy as jnp
import numpy as np

N = 10000
E = 320000
D = 128
H = 128


def setup_inputs(seed: int = 0) -> dict:
    key = jax.random.key(seed)
    ks = jax.random.split(key, 9)
    x = jax.random.normal(ks[0], (N, D), dtype=jnp.float32)
    edge_index = jax.random.randint(ks[1], (2, E), 0, N, dtype=jnp.int64)
    # gate: Linear(D, D)
    Wg = jax.random.normal(ks[2], (D, D), dtype=jnp.float32) / np.sqrt(D)
    bg = jnp.zeros((D,), dtype=jnp.float32)
    # GCNConv weights (PyG GCNConv: lin then normalized aggregation, plus bias)
    W1 = jax.random.normal(ks[3], (D, H), dtype=jnp.float32) / np.sqrt(D)
    b1 = jnp.zeros((H,), dtype=jnp.float32)
    W2 = jax.random.normal(ks[4], (H, H), dtype=jnp.float32) / np.sqrt(H)
    b2 = jnp.zeros((H,), dtype=jnp.float32)
    return {"x": x, "edge_index": edge_index, "Wg": Wg, "bg": bg,
            "W1": W1, "b1": b1, "W2": W2, "b2": b2}


def _gcn_conv(x, edge_index, W, b, n_nodes):
    # linear transform first (PyG default)
    h = x @ W
    src = edge_index[0]
    dst = edge_index[1]
    # add self loops
    loop = jnp.arange(n_nodes, dtype=edge_index.dtype)
    src = jnp.concatenate([src, loop])
    dst = jnp.concatenate([dst, loop])
    # symmetric normalization D^{-1/2} (A+I) D^{-1/2}
    deg = jnp.zeros((n_nodes,), dtype=h.dtype).at[dst].add(1.0)
    dinv = jnp.where(deg > 0, jax.lax.rsqrt(deg), 0.0)
    norm = dinv[src] * dinv[dst]
    msgs = h[src] * norm[:, None]
    out = jnp.zeros((n_nodes, h.shape[1]), dtype=h.dtype).at[dst].add(msgs)
    return out + b


def reference(x, edge_index, Wg, bg, W1, b1, W2, b2):
    gate_weight = jax.nn.sigmoid(x @ Wg + bg)
    x = x * gate_weight
    x = _gcn_conv(x, edge_index, W1, b1, N)
    x = jax.nn.relu(x)
    x = _gcn_conv(x, edge_index, W2, b2, N)
    return x

if __name__ == "__main__":
    import jax
    _d = setup_inputs()
    print(jax.jit(kernel)(*tuple(_d.values())))

</pallas_src>

<mosaic_0001>
#map = affine_map<(d0, d1) -> (0, 0, 0)>
#map1 = affine_map<(d0, d1) -> (0, 0)>
module attributes {stable_mosaic.version = 14 : i64} {
  func.func @_sc_degree_body(%arg0: i32, %arg1: i32, %arg2: memref<32x160x64xi32, #tpu.memory_space<hbm>>, %arg3: memref<10240x128xf32, #tpu.memory_space<hbm>>, %arg4: memref<2x10240x128xf32, #tpu.memory_space<hbm>>, %arg5: memref<10240x128xf32, #tpu.memory_space<vmem_shared>>, %arg6: memref<160x64xi32, #tpu.memory_space<vmem>>, %arg7: memref<64x128xf32, #tpu.memory_space<vmem>>) attributes {dimension_semantics = [#tpu.dimension_semantics<core_parallel>, #tpu.dimension_semantics<subcore_parallel>], iteration_bounds = array<i64: 2, 16>, scalar_prefetch = 0 : i64, scratch_operands = 3 : i64, tpu.core_type = #tpu.core_type<sc_vector_subcore>, window_params = [{transform_indices = #map}, {transform_indices = #map1}, {transform_indices = #map}]} {
    %mul3A = arith.constant 2 : i32
    %mul3A_0 = arith.muli %arg1, %mul3A : i32
    %add3A = arith.addi %mul3A_0, %arg0 : i32
    %scan3A = arith.constant 0 : i32
    %scan3A_1 = arith.constant 64 : i32
    %scan3A_2 = arith.addi %scan3A, %scan3A_1 : i32
    %scan3A_3 = arith.constant 1 : i32
    scf.for %scan3A_19 = %scan3A to %scan3A_2 step %scan3A_3  : i32 {
      %broadcast_in_dim3A = arith.constant 1.000000e+00 : f32
      %broadcast_in_dim3A_20 = vector.broadcast %broadcast_in_dim3A : f32 to vector<16xf32>
      %swap3A = arith.index_cast %scan3A_19 : i32 to index
      %swap3A_21 = arith.constant 0 : index
      %swap3A_22 = tpu.vector_load %arg7[%swap3A, %swap3A_21] {strides = array<i32>} : memref<64x128xf32, #tpu.memory_space<vmem>>, vector<1x16xf32>,
      %swap3A_23 = vector.shape_cast %swap3A_22 : vector<1x16xf32> to vector<16xf32>
      %swap3A_24 = vector.shape_cast %broadcast_in_dim3A_20 : vector<16xf32> to vector<1x16xf32>
      tpu.vector_store %arg7[%swap3A, %swap3A_21], %swap3A_24 {strides = array<i32>} : memref<64x128xf32, #tpu.memory_space<vmem>>, vector<1x16xf32>,
      %broadcast_in_dim3A_25 = arith.constant 1.000000e+00 : f32
      %broadcast_in_dim3A_26 = vector.broadcast %broadcast_in_dim3A_25 : f32 to vector<16xf32>
      %swap3A_27 = arith.index_cast %scan3A_19 : i32 to index
      %swap3A_28 = arith.constant 16 : index
      %swap3A_29 = tpu.vector_load %arg7[%swap3A_27, %swap3A_28] {strides = array<i32>} : memref<64x128xf32, #tpu.memory_space<vmem>>, vector<1x16xf32>,
      %swap3A_30 = vector.shape_cast %swap3A_29 : vector<1x16xf32> to vector<16xf32>
      %swap3A_31 = vector.shape_cast %broadcast_in_dim3A_26 : vector<16xf32> to vector<1x16xf32>
      tpu.vector_store %arg7[%swap3A_27, %swap3A_28], %swap3A_31 {strides = array<i32>} : memref<64x128xf32, #tpu.memory_space<vmem>>, vector<1x16xf32>,
      %broadcast_in_dim3A_32 = arith.constant 1.000000e+00 : f32
      %broadcast_in_dim3A_33 = vector.broadcast %broadcast_in_dim3A_32 : f32 to vector<16xf32>
      %swap3A_34 = arith.index_cast %scan3A_19 : i32 to index
      %swap3A_35 = arith.constant 32 : index
      %swap3A_36 = tpu.vector_load %arg7[%swap3A_34, %swap3A_35] {strides = array<i32>} : memref<64x128xf32, #tpu.memory_space<vmem>>, vector<1x16xf32>,
      %swap3A_37 = vector.shape_cast %swap3A_36 : vector<1x16xf32> to vector<16xf32>
      %swap3A_38 = vector.shape_cast %broadcast_in_dim3A_33 : vector<16xf32> to vector<1x16xf32>
      tpu.vector_store %arg7[%swap3A_34, %swap3A_35], %swap3A_38 {strides = array<i32>} : memref<64x128xf32, #tpu.memory_space<vmem>>, vector<1x16xf32>,
      %broadcast_in_dim3A_39 = arith.constant 1.000000e+00 : f32
      %broadcast_in_dim3A_40 = vector.broadcast %broadcast_in_dim3A_39 : f32 to vector<16xf32>
      %swap3A_41 = arith.index_cast %scan3A_19 : i32 to index
      %swap3A_42 = arith.constant 48 : index
      %swap3A_43 = tpu.vector_load %arg7[%swap3A_41, %swap3A_42] {strides = array<i32>} : memref<64x128xf32, #tpu.memory_space<vmem>>, vector<1x16xf32>,
      %swap3A_44 = vector.shape_cast %swap3A_43 : vector<1x16xf32> to vector<16xf32>
      %swap3A_45 = vector.shape_cast %broadcast_in_dim3A_40 : vector<16xf32> to vector<1x16xf32>
      tpu.vector_store %arg7[%swap3A_41, %swap3A_42], %swap3A_45 {strides = array<i32>} : memref<64x128xf32, #tpu.memory_space<vmem>>, vector<1x16xf32>,
      %broadcast_in_dim3A_46 = arith.constant 1.000000e+00 : f32
      %broadcast_in_dim3A_47 = vector.broadcast %broadcast_in_dim3A_46 : f32 to vector<16xf32>
      %swap3A_48 = arith.index_cast %scan3A_19 : i32 to index
      %swap3A_49 = arith.constant 64 : index
      %swap3A_50 = tpu.vector_load %arg7[%swap3A_48, %swap3A_49] {strides = array<i32>} : memref<64x128xf32, #tpu.memory_space<vmem>>, vector<1x16xf32>,
      %swap3A_51 = vector.shape_cast %swap3A_50 : vector<1x16xf32> to vector<16xf32>
      %swap3A_52 = vector.shape_cast %broadcast_in_dim3A_47 : vector<16xf32> to vector<1x16xf32>
      tpu.vector_store %arg7[%swap3A_48, %swap3A_49], %swap3A_52 {strides = array<i32>} : memref<64x128xf32, #tpu.memory_space<vmem>>, vector<1x16xf32>,
      %broadcast_in_dim3A_53 = arith.constant 1.000000e+00 : f32
      %broadcast_in_dim3A_54 = vector.broadcast %broadcast_in_dim3A_53 : f32 to vector<16xf32>
      %swap3A_55 = arith.index_cast %scan3A_19 : i32 to index
      %swap3A_56 = arith.constant 80 : index
      %swap3A_57 = tpu.vector_load %arg7[%swap3A_55, %swap3A_56] {strides = array<i32>} : memref<64x128xf32, #tpu.memory_space<vmem>>, vector<1x16xf32>,
      %swap3A_58 = vector.shape_cast %swap3A_57 : vector<1x16xf32> to vector<16xf32>
      %swap3A_59 = vector.shape_cast %broadcast_in_dim3A_54 : vector<16xf32> to vector<1x16xf32>
      tpu.vector_store %arg7[%swap3A_55, %swap3A_56], %swap3A_59 {strides = array<i32>} : memref<64x128xf32, #tpu.memory_space<vmem>>, vector<1x16xf32>,
      %broadcast_in_dim3A_60 = arith.constant 1.000000e+00 : f32
      %broadcast_in_dim3A_61 = vector.broadcast %broadcast_in_dim3A_60 : f32 to vector<16xf32>
      %swap3A_62 = arith.index_cast %scan3A_19 : i32 to index
      %swap3A_63 = arith.constant 96 : index
      %swap3A_64 = tpu.vector_load %arg7[%swap3A_62, %swap3A_63] {strides = array<i32>} : memref<64x128xf32, #tpu.memory_space<vmem>>, vector<1x16xf32>,
      %swap3A_65 = vector.shape_cast %swap3A_64 : vector<1x16xf32> to vector<16xf32>
      %swap3A_66 = vector.shape_cast %broadcast_in_dim3A_61 : vector<16xf32> to vector<1x16xf32>
      tpu.vector_store %arg7[%swap3A_62, %swap3A_63], %swap3A_66 {strides = array<i32>} : memref<64x128xf32, #tpu.memory_space<vmem>>, vector<1x16xf32>,
      %broadcast_in_dim3A_67 = arith.constant 1.000000e+00 : f32
      %broadcast_in_dim3A_68 = vector.broadcast %broadcast_in_dim3A_67 : f32 to vector<16xf32>
      %swap3A_69 = arith.index_cast %scan3A_19 : i32 to index
      %swap3A_70 = arith.constant 112 : index
      %swap3A_71 = tpu.vector_load %arg7[%swap3A_69, %swap3A_70] {strides = array<i32>} : memref<64x128xf32, #tpu.memory_space<vmem>>, vector<1x16xf32>,
      %swap3A_72 = vector.shape_cast %swap3A_71 : vector<1x16xf32> to vector<16xf32>
      %swap3A_73 = vector.shape_cast %broadcast_in_dim3A_68 : vector<16xf32> to vector<1x16xf32>
      tpu.vector_store %arg7[%swap3A_69, %swap3A_70], %swap3A_73 {strides = array<i32>} : memref<64x128xf32, #tpu.memory_space<vmem>>, vector<1x16xf32>,
    }
    %scan3A_4 = arith.constant 64 : i32
    %mul3A_5 = arith.constant 640 : i32
    %mul3A_6 = arith.muli %arg1, %mul3A_5 : i32
    %mul3A_7 = arith.constant 640 : i32
    %mul3A_8 = arith.muli %arg1, %mul3A_7 : i32
    "tpu.region"() ({
      %run_scoped3A = tpu.sem_alloc : memref<!tpu.dma_semaphore, #tpu.memory_space<semaphore_mem>>
      %dma_start3A = arith.constant 0 : i32
      %dma_start3A_19 = tpu.memref_slice %arg5[%mul3A_8, %dma_start3A] : memref<10240x128xf32, #tpu.memory_space<vmem_shared>> -> memref<640x128xf32, #tpu.memory_space<vmem_shared>>
      %dma_start3A_20 = arith.constant 0 : i32
      %dma_start3A_21 = tpu.memref_slice %arg3[%mul3A_6, %dma_start3A_20] : memref<10240x128xf32, #tpu.memory_space<hbm>> -> memref<640x128xf32, #tpu.memory_space<hbm>>
      tpu.enqueue_dma source(%dma_start3A_21 : memref<640x128xf32, #tpu.memory_space<hbm>>) target(%dma_start3A_19 : memref<640x128xf32, #tpu.memory_space<vmem_shared>>) target_semaphore(%run_scoped3A : memref<!tpu.dma_semaphore, #tpu.memory_space<semaphore_mem>>)
      %dma_wait3A = arith.constant 0 : i32
      %dma_wait3A_22 = tpu.memref_slice %arg5[%mul3A_8, %dma_wait3A] : memref<10240x128xf32, #tpu.memory_space<vmem_shared>> -> memref<640x128xf32, #tpu.memory_space<vmem_shared>>
      %dma_wait3A_23 = arith.constant 0 : i32
      %dma_wait3A_24 = tpu.memref_slice %arg3[%mul3A_6, %dma_wait3A_23] : memref<10240x128xf32, #tpu.memory_space<hbm>> -> memref<640x128xf32, #tpu.memory_space<hbm>>
      tpu.wait_dma2 semaphore(%run_scoped3A : memref<!tpu.dma_semaphore, #tpu.memory_space<semaphore_mem>>) src(%dma_wait3A_24 : memref<640x128xf32, #tpu.memory_space<hbm>>) dst(%dma_wait3A_22 : memref<640x128xf32, #tpu.memory_space<vmem_shared>>)
      tpu.yield
    }) : () -> ()
    "tpu.region"() ({
      %run_scoped3A = tpu.sem_alloc : memref<!tpu.dma_semaphore, #tpu.memory_space<semaphore_mem>>
      %dma_start3A = arith.constant 0 : i32
      %dma_start3A_19 = arith.constant 0 : i32
      %dma_start3A_20 = tpu.memref_slice %arg2[%add3A, %dma_start3A, %dma_start3A_19] : memref<32x160x64xi32, #tpu.memory_space<hbm>> -> memref<1x160x64xi32, #tpu.memory_space<hbm>>
      %dma_start3A_21 = tpu.memref_squeeze %dma_start3A_20 : memref<1x160x64xi32, #tpu.memory_space<hbm>> -> memref<160x64xi32, #tpu.memory_space<hbm>>
      %dma_start3A_22 = arith.constant 0 : i32
      %dma_start3A_23 = arith.constant 0 : i32
      %dma_start3A_24 = tpu.memref_slice %arg2[%add3A, %dma_start3A_22, %dma_start3A_23] : memref<32x160x64xi32, #tpu.memory_space<hbm>> -> memref<1x160x64xi32, #tpu.memory_space<hbm>>
      %dma_start3A_25 = tpu.memref_squeeze %dma_start3A_24 : memref<1x160x64xi32, #tpu.memory_space<hbm>> -> memref<160x64xi32, #tpu.memory_space<hbm>>
      tpu.enqueue_dma source(%dma_start3A_25 : memref<160x64xi32, #tpu.memory_space<hbm>>) target(%arg6 : memref<160x64xi32, #tpu.memory_space<vmem>>) target_semaphore(%run_scoped3A : memref<!tpu.dma_semaphore, #tpu.memory_space<semaphore_mem>>)
      %dma_wait3A = arith.constant 0 : i32
      %dma_wait3A_26 = arith.constant 0 : i32
      %dma_wait3A_27 = tpu.memref_slice %arg2[%add3A, %dma_wait3A, %dma_wait3A_26] : memref<32x160x64xi32, #tpu.memory_space<hbm>> -> memref<1x160x64xi32, #tpu.memory_space<hbm>>
      %dma_wait3A_28 = tpu.memref_squeeze %dma_wait3A_27 : memref<1x160x64xi32, #tpu.memory_space<hbm>> -> memref<160x64xi32, #tpu.memory_space<hbm>>
      %dma_wait3A_29 = arith.constant 0 : i32
      %dma_wait3A_30 = arith.constant 0 : i32
      %dma_wait3A_31 = tpu.memref_slice %arg2[%add3A, %dma_wait3A_29, %dma_wait3A_30] : memref<32x160x64xi32, #tpu.memory_space<hbm>> -> memref<1x160x64xi32, #tpu.memory_space<hbm>>
      %dma_wait3A_32 = tpu.memref_squeeze %dma_wait3A_31 : memref<1x160x64xi32, #tpu.memory_space<hbm>> -> memref<160x64xi32, #tpu.memory_space<hbm>>
      tpu.wait_dma2 semaphore(%run_scoped3A : memref<!tpu.dma_semaphore, #tpu.memory_space<semaphore_mem>>) src(%dma_wait3A_32 : memref<160x64xi32, #tpu.memory_space<hbm>>) dst(%arg6 : memref<160x64xi32, #tpu.memory_space<vmem>>)
      tpu.yield
    }) : () -> ()
    %barrier3A = arith.constant 0 : index
    tpu.barrier barrier_id(%barrier3A)
    %scan3A_9 = arith.constant 0 : i32
    %scan3A_10 = arith.constant 160 : i32
    %scan3A_11 = arith.addi %scan3A_9, %scan3A_10 : i32
    %scan3A_12 = arith.constant 1 : i32
    scf.for %scan3A_19 = %scan3A_9 to %scan3A_11 step %scan3A_12  : i32 {
      "tpu.region"() ({
        %run_scoped3A = tpu.sem_alloc : memref<!tpu.dma_semaphore, #tpu.memory_space<semaphore_mem>>
        %dma_start3A = arith.constant 0 : i32
        %dma_start3A_20 = tpu.memref_slice %arg6[%scan3A_19, %dma_start3A] : memref<160x64xi32, #tpu.memory_space<vmem>> -> memref<1x64xi32, #tpu.memory_space<vmem>>
        %dma_start3A_21 = tpu.memref_squeeze %dma_start3A_20 : memref<1x64xi32, #tpu.memory_space<vmem>> -> memref<64xi32, #tpu.memory_space<vmem>>
        %dma_start3A_22 = arith.constant 0 : i32
        %dma_start3A_23 = arith.constant 0 : i32
        %dma_start3A_24 = tpu.memref_slice %arg5[%dma_start3A_22, %dma_start3A_23] : memref<10240x128xf32, #tpu.memory_space<vmem_shared>> -> memref<10240x128xf32, #tpu.memory_space<vmem_shared>>
        tpu.enqueue_indirect_dma source(%arg7 : memref<64x128xf32, #tpu.memory_space<vmem>>) target(%dma_start3A_24 : memref<10240x128xf32, #tpu.memory_space<vmem_shared>>) offsets(%dma_start3A_21 : memref<64xi32, #tpu.memory_space<vmem>>) semaphore(%run_scoped3A : memref<!tpu.dma_semaphore, #tpu.memory_space<semaphore_mem>>) {add = true}
        %dma_wait3A = arith.constant 0 : i32
        %dma_wait3A_25 = tpu.memref_slice %arg6[%scan3A_19, %dma_wait3A] : memref<160x64xi32, #tpu.memory_space<vmem>> -> memref<1x64xi32, #tpu.memory_space<vmem>>
        %dma_wait3A_26 = tpu.memref_squeeze %dma_wait3A_25 : memref<1x64xi32, #tpu.memory_space<vmem>> -> memref<64xi32, #tpu.memory_space<vmem>>
        %dma_wait3A_27 = arith.constant 0 : i32
        %dma_wait3A_28 = arith.constant 0 : i32
        %dma_wait3A_29 = tpu.memref_slice %arg5[%dma_wait3A_27, %dma_wait3A_28] : memref<10240x128xf32, #tpu.memory_space<vmem_shared>> -> memref<10240x128xf32, #tpu.memory_space<vmem_shared>>
        tpu.wait_indirect_dma semaphore(%run_scoped3A : memref<!tpu.dma_semaphore, #tpu.memory_space<semaphore_mem>>) src(%arg7 : memref<64x128xf32, #tpu.memory_space<vmem>>) dst(%dma_wait3A_29 : memref<10240x128xf32, #tpu.memory_space<vmem_shared>>)
        tpu.yield
      }) : () -> ()
    }
    %scan3A_13 = arith.constant 160 : i32
    %barrier3A_14 = arith.constant 0 : index
    tpu.barrier barrier_id(%barrier3A_14)
    %mul3A_15 = arith.constant 640 : i32
    %mul3A_16 = arith.muli %arg1, %mul3A_15 : i32
    %mul3A_17 = arith.constant 640 : i32
    %mul3A_18 = arith.muli %arg1, %mul3A_17 : i32
    "tpu.region"() ({
      %run_scoped3A = tpu.sem_alloc : memref<!tpu.dma_semaphore, #tpu.memory_space<semaphore_mem>>
      %dma_start3A = arith.constant 0 : i32
      %dma_start3A_19 = tpu.memref_slice %arg4[%arg0, %mul3A_18, %dma_start3A] : memref<2x10240x128xf32, #tpu.memory_space<hbm>> -> memref<1x640x128xf32, #tpu.memory_space<hbm>>
      %dma_start3A_20 = tpu.memref_squeeze %dma_start3A_19 : memref<1x640x128xf32, #tpu.memory_space<hbm>> -> memref<640x128xf32, #tpu.memory_space<hbm>>
      %dma_start3A_21 = arith.constant 0 : i32
      %dma_start3A_22 = tpu.memref_slice %arg5[%mul3A_16, %dma_start3A_21] : memref<10240x128xf32, #tpu.memory_space<vmem_shared>> -> memref<640x128xf32, #tpu.memory_space<vmem_shared>>
      tpu.enqueue_dma source(%dma_start3A_22 : memref<640x128xf32, #tpu.memory_space<vmem_shared>>) target(%dma_start3A_20 : memref<640x128xf32, #tpu.memory_space<hbm>>) target_semaphore(%run_scoped3A : memref<!tpu.dma_semaphore, #tpu.memory_space<semaphore_mem>>)
      %dma_wait3A = arith.constant 0 : i32
      %dma_wait3A_23 = tpu.memref_slice %arg4[%arg0, %mul3A_18, %dma_wait3A] : memref<2x10240x128xf32, #tpu.memory_space<hbm>> -> memref<1x640x128xf32, #tpu.memory_space<hbm>>
      %dma_wait3A_24 = tpu.memref_squeeze %dma_wait3A_23 : memref<1x640x128xf32, #tpu.memory_space<hbm>> -> memref<640x128xf32, #tpu.memory_space<hbm>>
      %dma_wait3A_25 = arith.constant 0 : i32
      %dma_wait3A_26 = tpu.memref_slice %arg5[%mul3A_16, %dma_wait3A_25] : memref<10240x128xf32, #tpu.memory_space<vmem_shared>> -> memref<640x128xf32, #tpu.memory_space<vmem_shared>>
      tpu.wait_dma2 semaphore(%run_scoped3A : memref<!tpu.dma_semaphore, #tpu.memory_space<semaphore_mem>>) src(%dma_wait3A_26 : memref<640x128xf32, #tpu.memory_space<vmem_shared>>) dst(%dma_wait3A_24 : memref<640x128xf32, #tpu.memory_space<hbm>>)
      tpu.yield
    }) : () -> ()
    return
  }
}

</mosaic_0001>

<sc_bundles>
// kernel: _sc_degree.3.cloned.1.call-start
scs
__scs_entry_jumppad:
0x0: {  	(pc) =	sbr.rel $0x88, $3  }
0x1: {  	(tag) =	ssettag $0x0;
	lr =	simm.s32 $0x1  }
0x2: {  	[smem:$0x3F9F] =	sst lr;
	_ =	strace $0xD0000000  }
0x3: {  	_ = 	snop  }
0x4: {  	_ = 	snop  }
0x5: {  	_ = 	snop  }
0x6: {  	_ = 	snop  }
0x7: {  	_ = 	snop  }
__scs_overlays_trampoline_lowered:
0x8: {  	[smem:$0x3FAE] =	sst s0  }
0x9: {  	[smem:$0x3FAF] =	sst s1  }
0xa: {  	[smem:$0x3FB0] =	sst s2  }
0xb: {  	[smem:$0x3FB1] =	sst s3  }
0xc: {  	[smem:$0x3FB2] =	sst s4  }
0xd: {  	[smem:$0x3FB3] =	sst s5  }
0xe: {  	[smem:$0x3FB4] =	sst s6  }
0xf: {  	[smem:$0x3FB5] =	sst s7  }
0x10: {  	[smem:$0x3FB6] =	sst s8  }
0x11: {  	[smem:$0x3FB7] =	sst s9;
	s0 =	simm.s32 @!p0 $0x0  }
0x12: {  	s1 =	sld [smem:$0x3F9D];
	s0 =	simm.s32 @p0 $0x1  }
0x13: {  	[smem:$0x3FB8] =	sst s0;
	s0 =	simm.s32 @!p1 $0x0  }
0x14: {  	s2 =	sld [smem:$0x3F9C];
	s0 =	simm.s32 @p1 $0x1  }
0x15: {  	[smem:$0x3FB9] =	sst s0;
	s0 =	simm.s32 @!p2 $0x0  }
0x16: {  	s3 =	sld [smem:$0x3FDB];
	s0 =	simm.s32 @p2 $0x1  }
0x17: {  	s4 =	simm.s32 $0x1BF5;
	[smem:$0x3FBB] =	sst s0  }
0x18: {  	s0 =	sld [smem:$0x3F9E];
	_ =	swait.ge [sflag:s4], $0x0  }
0x19: {  	s7 =	sld [smem:$0x3F9F]  }
0x1a: {  	s8 =	sadd.s32 $0xFFFFE003, lr  }
0x1b: {  	s9 =	sadd.s32 $0xFFFFFEF7, lr;
	s5 =	simm.s32 $0xFFFFFFFF;
	p2 =	slt.u32 s8, $0xFFFFF086  }
0x1c: {  	p1 =	slt.u32 s9, $0xF7A;
	s5 =	simm.s32 @!p2 $0x0  }
0x1d: {  	s5 =	simm.s32 @p1 $0x1;
	p0 =	seq.s32 s7, s2  }
0x1e: {  	s7 =	smul.u32 @!p0 $0xF7A, s2;
	p2 =	seq.s32 @!p0 s5, $0x0  }
0x1f: {  	s9 =	smul.u32 $0xF7A, s1;
	s8 =	simm.s32 @!p0 $0x1BF5;
	p2 =	por !p2, p0  }
0x20: {  	[sflag:s8] =	ssyncset.s32 @!p0 $0xFFFFF086;
	s6 =	sadd.s32 @!p0 s3, s7;
	s7 =	simm.s32 @!p0 $0x108  }
0x21: {  	s3 =	sadd.s32 s3, s9;
	s6 =	sadd.s32 @!p0 $0x88, s6;
	s7 =	simm.s32 @p2 $0x1082  }
0x22: {  	[simem:s7], [sflag:s8] =	dma.local @!p0 [hbm:s6], $0xF7A  }
0x23: {  	s9 =	sor.u32 $0xD0000000, s2;
	s6 =	simm.s32 $0x108;
	_ =	swait.ge @!p0 [sflag:s8], $0x0  }
0x24: {  	s3 =	sadd.s32 $0x88, s3;
	s6 =	simm.s32 @!p1 $0x1082;
	[sflag:s4] =	ssyncset.s32 $0xFFFFF086  }
0x25: {  	[simem:s6], [sflag:s4] =	dma.local [hbm:s3], $0xF7A  }
0x26: {  	[smem:$0x3F9F] =	sst s1;
	(tag) =	ssettag s2;
	_ =	strace s9  }
0x27: {  	s1 =	sld [smem:$0x3FAF]  }
0x28: {  	s2 =	sld [smem:$0x3FB0]  }
0x29: {  	s4 =	sld [smem:$0x3FB2]  }
0x2a: {  	p0 =	seq.s32 s5, $0x0;
	s5 =	sld [smem:$0x3FB3]  }
0x2b: {  	s6 =	sld [smem:$0x3FB4]  }
0x2c: {  	s7 =	sld [smem:$0x3FB5]  }
0x2d: {  	s3 =	simm.s32 $0x108;
	s8 =	sld [smem:$0x3FB6]  }
0x2e: {  	s3 =	simm.s32 @!p0 $0x1082;
	s9 =	sld [smem:$0x3FB7]  }
0x2f: {  	lr =	sadd.s32 s0, s3;
	s0 =	sld [smem:$0x3FAE]  }
0x30: {  	s3 =	sld [smem:$0x3FB1]  }
0x31: {  	[smem:$0x3FBA] =	sst s10  }
0x32: {  	s10 =	sld [smem:$0x3FB8];
	_ =	sdelay $0x3  }
0x33: {  	p0 =	seq.s32 s10, $0x1;
	s10 =	sld [smem:$0x3FBA];
	_ =	sdelay $0x3  }
0x34: {  	[smem:$0x3FBA] =	sst s10  }
0x35: {  	s10 =	sld [smem:$0x3FB9];
	_ =	sdelay $0x3  }
0x36: {  	p1 =	seq.s32 s10, $0x1;
	s10 =	sld [smem:$0x3FBA];
	_ =	sdelay $0x3  }
0x37: {  	[smem:$0x3FBA] =	sst s10  }
0x38: {  	s10 =	sld [smem:$0x3FBB]  }
0x39: {  	_ = 	snop;
	(pc) =	sbr.ind lr, $3  }
0x3a: {  	_ = 	snop  }
0x3b: {  	_ = 	snop  }
0x3c: {  	p2 =	seq.s32 s10, $0x1;
	s10 =	sld [smem:$0x3FBA]  }
0x3d: {  	_ =	shalt  }
0x3e: {  	_ =	shalt  }
0x3f: {  	_ =	shalt  }
0x40: {  	_ =	shalt  }
0x41: {  	_ =	shalt  }
0x42: {  	_ =	shalt  }
0x43: {  	_ =	shalt  }
0x44: {  	_ =	shalt  }
0x45: {  	_ =	shalt  }
0x46: {  	_ =	shalt  }
0x47: {  	_ =	shalt  }
0x48: {  	_ =	shalt  }
0x49: {  	_ =	shalt  }
0x4a: {  	_ =	shalt  }
0x4b: {  	_ =	shalt  }
0x4c: {  	_ =	shalt  }
0x4d: {  	_ =	shalt  }
0x4e: {  	_ =	shalt  }
0x4f: {  	_ =	shalt  }
0x50: {  	_ =	shalt  }
0x51: {  	_ =	shalt  }
0x52: {  	_ =	shalt  }
0x53: {  	_ =	shalt  }
0x54: {  	_ =	shalt  }
0x55: {  	_ =	shalt  }
0x56: {  	_ =	shalt  }
0x57: {  	_ =	shalt  }
0x58: {  	_ =	shalt  }
0x59: {  	_ =	shalt  }
0x5a: {  	_ =	shalt  }
0x5b: {  	_ =	shalt  }
0x5c: {  	_ =	shalt  }
0x5d: {  	_ =	shalt  }
0x5e: {  	_ =	shalt  }
0x5f: {  	_ =	shalt  }
0x60: {  	_ =	shalt  }
0x61: {  	_ =	shalt  }
0x62: {  	_ =	shalt  }
0x63: {  	_ =	shalt  }
0x64: {  	_ =	shalt  }
0x65: {  	_ =	shalt  }
0x66: {  	_ =	shalt  }
0x67: {  	_ =	shalt  }
0x68: {  	_ =	shalt  }
0x69: {  	_ =	shalt  }
0x6a: {  	_ =	shalt  }
0x6b: {  	_ =	shalt  }
0x6c: {  	_ =	shalt  }
0x6d: {  	_ =	shalt  }
0x6e: {  	_ =	shalt  }
0x6f: {  	_ =	shalt  }
0x70: {  	_ =	shalt  }
0x71: {  	_ =	shalt  }
0x72: {  	_ =	shalt  }
0x73: {  	_ =	shalt  }
0x74: {  	_ =	shalt  }
0x75: {  	_ =	shalt  }
0x76: {  	_ =	shalt  }
0x77: {  	_ =	shalt  }
0x78: {  	_ =	shalt  }
0x79: {  	_ =	shalt  }
0x7a: {  	_ =	shalt  }
0x7b: {  	_ =	shalt  }
0x7c: {  	_ =	shalt  }
0x7d: {  	_ =	shalt  }
0x7e: {  	_ =	shalt  }
0x7f: {  	_ =	shalt  }
0x80: {  	_ =	shalt  }
0x81: {  	_ =	shalt  }
0x82: {  	_ =	shalt  }
0x83: {  	_ =	shalt  }
0x84: {  	_ =	shalt  }
0x85: {  	_ =	shalt  }
0x86: {  	_ =	shalt  }
0x87: {  	_ =	shalt  }
.Lfunc_end0:
.L_simem_size_0:
called_computation_lowered:
.L_overlay_start_0:
0x88: {  	s2 =	sld [smem:$0x3FD9]  }
0x89: {  	s3 =	sld [smem:$0x3FFE];
	_ =	sdelay $0x1  }
0x8a: {  	s1 =	srdreg.scid  }
0x8b: {  	s0 =	sand.u32 $0x1, s1  }
0x8c: {  	s17 =	sshll.u32 s0, $0xA;
	s2 =	sadd.s32 s3, s2  }
0x8d: {  	s2 =	sadd.s32 s2, s17  }
0x8e: {  	[smem:$0x3FC6] =	sst s2  }
0x8f: {  	_ = 	snop  }
0x90: {  	s2 =	sld [smem:$0x3FC8]  }
0x91: {  	s18 =	sld [smem:$0x3FD0];
	(tm) =	ssettm $0x1  }
0x92: {  	s4 =	sld [smem:$0x3FFB];
	_ =	sdelay $0x3  }
0x93: {  	_ =	strace s4  }
0x94: {  	s4 =	sld [smem:$0x3FFC];
	_ =	sdelay $0x3  }
0x95: {  	_ =	strace s4  }
0x96: {  	s4 =	sld [smem:$0x3FFD];
	_ =	sdelay $0x3  }
0x97: {  	_ =	strace s4  }
0x98: {  	_ =	strace $0x8FFFFFFF  }
0x99: {  	s19 =	sld [smem:$0x3FDB];
	_ =	sdelay $0x1  }
0x9a: {  	s5 =	simm.s32 $_scs_section_size  }
0x9b: {  	s6 =	simm.s32 $_size__tile_overlayer_lowered;
	s7 =	simm.s32 $_tile_overlayer_lowered  }
0x9c: {  	s22 =	simm.s32 $0x1BFF;
	s21 =	sshll.u32 s7, $0x1;
	s4 =	sadd.s32 s5, s19  }
0x9d: {  	s8 =	simm.s32 $0x0;
	s20 =	sshll.u32 s6, $0x1;
	s6 =	sadd.s32 s21, s4  }
0x9e: {  	[timem:s8], [sflag:s22] =	dma.local [hbm:s6], s20  }
0x9f: {  	_ =	swait.ge [sflag:s22], s20  }
0xa0: {  	s5 =	ssub.s32 $0x0, s20;
	[sflag:s22] =	ssyncset.done $0x0  }
0xa1: {  	[sflag:s22] =	ssyncadd.s32 s5;
	_ =	sdelay $0x1  }
0xa2: {  	s23 =	simm.s32 $0x1B8B  }
0xa3: {  	_ =	swait.ge [sflag:s23], $0x1  }
0xa4: {  	[sflag:s23] =	ssyncset.done $0x0  }
0xa5: {  	s25 =	simm.s32 $0x1B8E;
	s24 =	sld [smem:$0x3FFE];
	[sflag:s23] =	ssyncadd.s32 $0xFFFFFFFF  }
0xa6: {  	s26 =	simm.s32 $execute0_lowered;
	[smem:$0x3FD2] =	sst s25  }
0xa7: {  	s6 =	sshll.u32 s26, $0x1;
	_ =	strace $0x80000046;
	[dreg:$0x1] =	wrdreg $0xFFFFFFFF  }
0xa8: {  	s28 =	simm.s32 $_size_execute0_lowered;
	s4 =	sadd.s32 s4, s6;
	[dreg:$0x0] =	wrdreg $0x0  }
0xa9: {  	s6 =	sshll.u32 s28, $0x1;
	[dreg:$0x2] =	wrdreg s4  }
0xaa: {  	[dreg:$0x3] =	wrdreg s6  }
0xab: {  	[dreg:$0x4] =	wrdreg $0xC0  }
0xac: {  	_ =	task [dreg:s8], $0x5FFFF  }
0xad: {  	[dreg:$0x1] =	wrdreg $0xFFFFFFFF  }
0xae: {  	[dreg:$0x0] =	wrdreg $0x60  }
0xaf: {  	[dreg:$0x2] =	wrdreg s24  }
0xb0: {  	[dreg:$0x3] =	wrdreg s2  }
0xb1: {  	[dreg:$0x4] =	wrdreg s18  }
0xb2: {  	[dreg:$0x5] =	wrdreg $0x0  }
0xb3: {  	[dreg:$0x6] =	wrdreg $0x9  }
0xb4: {  	_ =	task.clear_ibuf [dreg:s8], $0x7FFFF;
	_ =	strace $0x90000046  }
0xb5: {  	s29 =	simm.s32 $0x9;
	_ =	strace $0x80000048  }
0xb6: {  	_ =	swait.ge [sflag:s29], $0x1  }
0xb7: {  	[sflag:s29] =	ssyncadd.s32 $0xFFFFFFFF  }
0xb8: {  	_ =	strace $0x90000048  }
0xb9: {  	_ =	sfence  }
0xba: {  	s30 =	sld [smem:$0x0];
	_ =	sdelay $0x2  }
0xbb: {  	s31 =	sshll.u32 s1, $0xD;
	s1 =	sshrl.u32 s1, $0x2  }
0xbc: {  	s3 =	sand.u32 $0x4000, s31;
	s1 =	sadd.s32 s1, s30  }
0xbd: {  	s0 =	sor.u32 s3, s0;
	s1 =	sshll.u32 s1, $0x11  }
0xbe: {  	s0 =	sor.u32 s1, s0  }
0xbf: {  	s0 =	sadd.s32 $0x8F2B, s0  }
0xc0: {  	[sflag:s0] =	ssyncadd.remote.s32 $0x1  }
0xc1: {  	_ =	sfence.sel $0xFFFF  }
0xc2: {  	[dreg:$0x0] =	wrdreg $0xFFFFFFFF;
	(pc) =	sbr.abs _section_cstart, $3  }
0xc3: {  	[dreg:$0x1] =	wrdreg $0xFFFFFFFF  }
0xc4: {  	_ =	task.clear_ibuf [dreg:s8], $0x2FFFF;
	_ =	strace $0x9FFFFFFF  }
0xc5: {  	(tm) =	ssettm $0x7FFFFFFF  }
tec
execute0_lowered:
.L_overlay_start_1:
0x0: {  	(tag) =	ssettag $0x1  }
0x1: {  	s4 =	rddreg [dreg:$0x0]  }
0x2: {  	s5 =	rddreg [dreg:$0x1]  }
0x3: {  	s1 =	srdreg.scid;
	s7 =	rddreg [dreg:$0x2]  }
0x4: {  	s0 =	stileid.u32;
	s2 =	rddreg [dreg:$0x3];
	s3 =	simm.s32 $0x0  }
0x5: {  	s13 =	simm.s32 $0x19000;
	s6 =	sand.u32 $0x1, s1;
	s9 =	smul.u32 $0x50000, s0  }
0x6: {  	s28 =	sshll.u32 s0, $0x1;
	[smem:$0x7FF] =	sst s3;
	s11 =	smul.u32 $0x14000, s0  }
0x7: {  	s1 =	sor.u32 s6, s28;
	s10 =	ssub.s32 $0x2, s6;
	s6 =	smul.u32 $0x140000, s6  }
0x8: {  	s31 =	sshll.u32 s0, $0x6;
	s8 =	smul.u32 $0xA00, s1;
	s1 =	rddreg [dreg:$0x4]  }
0x9: {  	_ =	strace $0x80000047;
	s12 =	sshrl.u32 s10, $0x1;
	s29 =	sshrl.u32 s9, $0x2  }
0xa: {  	s30 =	sshrl.u32 s11, $0x3;
	s10 =	ssub.s32 s10, s12;
	s9 =	sadd.s32 s29, s2  }
0xb: {  	s6 =	sadd.s32 s11, s6;
	s12 =	simm.s32 $0x40;
	s8 =	sadd.s32 s8, s4  }
0xc: {  	s4 =	sadd.s32 s5, s30;
	s11 =	sshrl.u32 s6, $0x3;
	s5 =	sor.u32 $0x1C01, s31  }
0xd: {  	s9 =	sshrl.u32 s9, $0x3;
	s6 =	sadd.s32 $0x400, s8;
	s7 =	sadd.s32 s7, s11  }
0xe: {  	v0 =	vimm.f32 $1.000000000e+00;
	s8 =	smax.u32 s10, $0x1;
	s10 =	simm.s32 $0x1;
	s11 =	simm.s32 $0x14000  }
.LBB2_1:
0xf: {  	s14 =	simm.s32 $0x0;
	s15 =	simm.s32 $0x200  }
.LBB2_2:
0x10: {  	p0 =	sne.s32 s15, $0x7E00;
	[tilespmem:s14+$0x19070] =	vst v0  }
0x11: {  	[tilespmem:s14+$0x19000] =	vst v0  }
0x12: {  	[tilespmem:s14+$0x19010] =	vst v0  }
.Ltmp0:
0x13: {  	[tilespmem:s14+$0x19020] =	vst v0;
	(pc) =	sbr.rel @p0 .LBB2_2-.Ltmp0, $4  }
0x14: {  	[tilespmem:s14+$0x19030] =	vst v0  }
0x15: {  	[tilespmem:s14+$0x19040] =	vst v0  }
0x16: {  	[tilespmem:s14+$0x19050] =	vst v0  }
0x17: {  	[tilespmem:s14+$0x19060] =	vst v0;
	s14 =	sshra.s32 s15, $0x2;
	s15 =	sadd.s32 $0x200, s15  }
0x18: {  	[tilespmem:s14+$0x19070] =	vst v0  }
0x19: {  	[tilespmem:s14+$0x19000] =	vst v0  }
0x1a: {  	[tilespmem:s14+$0x19010] =	vst v0  }
0x1b: {  	[tilespmem:s14+$0x19020] =	vst v0  }
0x1c: {  	[tilespmem:s14+$0x19030] =	vst v0  }
0x1d: {  	[tilespmem:s14+$0x19040] =	vst v0  }
0x1e: {  	[tilespmem:s14+$0x19050] =	vst v0  }
0x1f: {  	[tilespmem:s14+$0x19060] =	vst v0  }
0x20: {  	[spmem:s9], [sflag:s5] =	dma.local [hbm:s4], $0x2800  }
0x21: {  	_ =	swait.ge [sflag:s10], $0x2800  }
0x22: {  	[sflag:s10] =	ssyncset.done $0x0  }
0x23: {  	s30 =	simm.s32 $0x0;
	[sflag:s10] =	ssyncadd.s32 $0xFFFFD800  }
0x24: {  	[tilespmem:s11], [sflag:$0x1] =	stream.linear.gather [hbm4b:s6+s30], $0x5000, $0x38;
	[tilespmem:$0x1B000] =	vst v63  }
0x25: {  	_ =	swait.ge [sflag:s10], $0x5000  }
0x26: {  	[sflag:s10] =	ssyncset.done $0x0  }
0x27: {  	[sflag:s10] =	ssyncadd.s32 $0xFFFFB000  }
0x28: {  	s31 =	simm.s32 $0x14000;
	[bflag:$0x0] =	sbarrier.arrive $0xFFFF  }
0x29: {  	[spmem:s2] =	stream.indirect.scatter.add.f32 [tilespmem:s13], [sflag:$0x1], $0x80, s31, s12, $0xb8;
	[tilespmem:$0x1B000] =	vst v63  }
0x2a: {  	s14 =	simm.s32 $0x200;
	_ =	swait.ge [sflag:s10], $0x2000  }
.LBB2_4:
0x2b: {  	s15 =	sshra.s32 s14, $0x2;
	[sflag:s10] =	ssyncset.done $0x0;
	p0 =	sne.s32 s14, $0x13E00  }
.Ltmp1:
0x2c: {  	s15 =	sadd.s32 $0x14000, s15;
	[sflag:s10] =	ssyncadd.s32 $0xFFFFE000;
	(pc) =	sbr.rel @p0 .LBB2_4-.Ltmp1, $3  }
0x2d: {  	[spmem:s2] =	stream.indirect.scatter.add.f32 [tilespmem:s13], [sflag:$0x1], $0x80, s15, s12, $0xb8;
	[tilespmem:$0x1B000] =	vst v63  }
0x2e: {  	s14 =	sadd.s32 $0x200, s14;
	_ =	sdelay $0x1  }
0x2f: {  	_ =	swait.ge [sflag:s10], $0x2000  }
0x30: {  	[sflag:s10] =	ssyncset.done $0x0;
	s3 =	sadd.s32 $0x1, s3  }
0x31: {  	[sflag:s10] =	ssyncadd.s32 $0xFFFFE000;
	p0 =	sne.s32 s3, s8  }
.Ltmp2:
0x32: {  	[bflag:$0x0] =	sbarrier.arrive $0xFFFF;
	(pc) =	sbr.rel @p0 .LBB2_1-.Ltmp2, $4  }
0x33: {  	[hbm:s7], [sflag:s5] =	dma.local [spmem:s9], $0x2800  }
0x34: {  	_ =	swait.ge [sflag:s10], $0x2800  }
0x35: {  	[sflag:s10] =	ssyncset.done $0x0  }
0x36: {  	[sflag:s10] =	ssyncadd.s32 $0xFFFFD800  }
0x37: {  	_ =	sfence.sel $0x180000  }
0x38: {  	[bflag:$0x0] =	sbarrier.arrive $0xFFFF  }
0x39: {  	p0 =	sne.s32 s0, $0x0;
	_ =	strace $0x90000047  }
0x3a: {  	s0 =	sadd.s32 @!p0 $0x100000, s1;
	[bflag:$0x2] =	sbarrier.arrive $0xFFFF  }
0x3b: {  	[sflag:s0] =	ssyncadd.tile.s32 @!p0 $0x1;
	_ =	shalt  }
.Lfunc_end2:
_tile_overlayer_lowered:
.L_overlay_start_2:
0x3c: {  	(tag) =	ssettag $0x2  }
0x3d: {  	s0 =	rddreg [dreg:$0x0];
	s2 =	stileid.u32  }
0x3e: {  	s1 =	rddreg [dreg:$0x1];
	p0 =	sne.s32 s2, $0x0  }
0x3f: {  	s3 =	rddreg [dreg:$0x2];
	[bflag:$0x3] =	sbarrier.arrive $0xFFFF;
	s2 =	simm.s32 @!p0 $0x1C01  }
0x40: {  	[timem:s3], [sflag:s2] =	dma.local @!p0 [hbm:s0], s1  }
0x41: {  	s0 =	simm.s32 @!p0 $0x1  }
0x42: {  	_ =	swait.ge @!p0 [sflag:s0], s1  }
0x43: {  	s1 =	ssub.s32 @!p0 $0x0, s1;
	[sflag:s0] =	ssyncset.done @!p0 $0x0  }
0x44: {  	[sflag:s0] =	ssyncadd.s32 @!p0 s1  }
0x45: {  	[bflag:$0x3] =	sbarrier.arrive $0xFFFF  }
0x46: {  	_ =	shalt  }

</sc_bundles>
